<compile_context>
chip_gen: v7x
topology: tpu7x:2x2x1
jax: 0.10.2.dev20260603
libtpu: 0.0.44.dev20260713+nightly
codegen_flags: <defaults>
</compile_context>

<pallas_src>
import functools

import jax
import jax.numpy as jnp
from jax import lax
from jax.experimental import pallas as pl
from jax.experimental.pallas import tpu as pltpu
from jax.experimental.pallas import tpu_sc as plsc

ENTREZ = 100000
D = 128
B = 4096
H = 50
N = B * H
NC = 2
NS = 16
NW = NC * NS
CH = B // NW
NCH = H
NB = 5
NLOOP = NCH // NB


def _body(xt_hbm, table_hbm, out_hbm, idx_v, *rest):
    bufs = rest[:NB]
    sg = rest[NB:2 * NB]
    so = rest[2 * NB:3 * NB]
    st = rest[3 * NB]
    wid = lax.axis_index("s") * NC + lax.axis_index("c")
    col = wid * CH

    head = 8
    pltpu.sync_copy(xt_hbm.at[pl.ds(0, head), pl.ds(col, CH)],
                    idx_v.at[pl.ds(0, head)])
    tail = pltpu.async_copy(xt_hbm.at[pl.ds(head, NCH - head), pl.ds(col, CH)],
                            idx_v.at[pl.ds(head, NCH - head)], st)

    def g_start(c, b):
        pltpu.async_copy(table_hbm.at[idx_v.at[c]], bufs[b], sg[b])

    def g_wait(b):
        pltpu.make_async_copy(table_hbm.at[idx_v.at[0]], bufs[b], sg[b]).wait()

    def o_start(c, b):
        pltpu.async_copy(bufs[b], out_hbm.at[pl.ds(c * B + col, CH)], so[b])

    def o_wait(b):
        pltpu.make_async_copy(bufs[b], out_hbm.at[pl.ds(col, CH)], so[b]).wait()

    for b in range(NB - 1):
        g_start(b, b)
    tail.wait()

    def loop(i, carry):
        for b in range(NB):
            c = NB * i + b
            g_wait(b)
            o_start(c, b)
            cr = c + NB - 1

            @pl.when(cr < NCH)
            def _():
                @pl.when(c >= 1)
                def _():
                    o_wait((b + NB - 1) % NB)

                g_start(cr, (b + NB - 1) % NB)

        return carry

    lax.fori_loop(0, NLOOP, loop, 0)
    for b in range(NB):
        o_wait(b)


def kernel(x, table):
    xt = x.T.astype(jnp.int32)
    mesh = plsc.VectorSubcoreMesh(core_axis_name="c", subcore_axis_name="s")
    run = functools.partial(
        pl.kernel,
        mesh=mesh,
        out_type=jax.ShapeDtypeStruct((N, D), jnp.float32),
        scratch_types=(
            [pltpu.VMEM((NCH, CH), jnp.int32)]
            + [pltpu.VMEM((CH, D), jnp.float32) for _ in range(NB)]
            + [pltpu.SemaphoreType.DMA for _ in range(2 * NB + 1)]
        ),
    )(_body)
    out = run(xt, table)
    return out.reshape(H, B, D).transpose(1, 0, 2)

# --- scband reference (transcript-rebuilt; emitter-appended) ---
"""Pipeline reference for scband-single-embedder-89318139887927 (READ-ONLY COPY).

The authoritative reference and input builder live on the scoring server;
editing this copy changes nothing except your own understanding.
"""

import jax, jax.numpy as jnp
import numpy as np

ENTREZ_SIZE = 100000
EMBED_SZ = 128
BATCH = 4096
HIST = 50

def setup_inputs(seed: int = 0) -> dict:
    key = jax.random.key(seed)
    k1, k2 = jax.random.split(key)
    x = jax.random.randint(k1, (BATCH, HIST), 0, ENTREZ_SIZE, dtype=jnp.int64 if jax.config.jax_enable_x64 else jnp.int32)
    # Embedding table: init uniform(-bound, bound) as in the torch module, then
    # emulate pretrained-matching + normalization (mean-centering over matched rows,
    # zeroing missed rows) deterministically.
    bound = float(np.sqrt(3.0 / EMBED_SZ))
    table = jax.random.uniform(k2, (ENTREZ_SIZE, EMBED_SZ), dtype=jnp.float32, minval=-bound, maxval=bound)
    n_matched = ENTREZ_SIZE // 2
    matched_idx = jnp.arange(n_matched)
    missed_idx = jnp.arange(n_matched, ENTREZ_SIZE)
    mean_matched = table[matched_idx, :].mean(0)
    table = table - mean_matched
    table = table.at[missed_idx, :].set(0.0)
    return {"x": x, "table": table}

def reference(x, table):
    # Faithful translation of forward: return self.embedder(x)
    return jnp.take(table, x, axis=0)

if __name__ == "__main__":
    import jax
    _d = setup_inputs()
    print(jax.jit(kernel)(*tuple(_d.values())))

</pallas_src>

<mosaic_0001>
#map = affine_map<(d0, d1) -> (0, 0)>
module attributes {stable_mosaic.version = 14 : i64} {
  func.func @_body(%arg0: i32, %arg1: i32, %arg2: memref<50x4096xi32, #tpu.memory_space<hbm>>, %arg3: memref<100000x128xf32, #tpu.memory_space<hbm>>, %arg4: memref<204800x128xf32, #tpu.memory_space<hbm>>, %arg5: memref<50x128xi32, #tpu.memory_space<vmem>>, %arg6: memref<128x128xf32, #tpu.memory_space<vmem>>, %arg7: memref<128x128xf32, #tpu.memory_space<vmem>>, %arg8: memref<128x128xf32, #tpu.memory_space<vmem>>, %arg9: memref<128x128xf32, #tpu.memory_space<vmem>>, %arg10: memref<128x128xf32, #tpu.memory_space<vmem>>, %arg11: memref<!tpu.dma_semaphore, #tpu.memory_space<semaphore_mem>>, %arg12: memref<!tpu.dma_semaphore, #tpu.memory_space<semaphore_mem>>, %arg13: memref<!tpu.dma_semaphore, #tpu.memory_space<semaphore_mem>>, %arg14: memref<!tpu.dma_semaphore, #tpu.memory_space<semaphore_mem>>, %arg15: memref<!tpu.dma_semaphore, #tpu.memory_space<semaphore_mem>>, %arg16: memref<!tpu.dma_semaphore, #tpu.memory_space<semaphore_mem>>, %arg17: memref<!tpu.dma_semaphore, #tpu.memory_space<semaphore_mem>>, %arg18: memref<!tpu.dma_semaphore, #tpu.memory_space<semaphore_mem>>, %arg19: memref<!tpu.dma_semaphore, #tpu.memory_space<semaphore_mem>>, %arg20: memref<!tpu.dma_semaphore, #tpu.memory_space<semaphore_mem>>, %arg21: memref<!tpu.dma_semaphore, #tpu.memory_space<semaphore_mem>>) attributes {dimension_semantics = [#tpu.dimension_semantics<core_parallel>, #tpu.dimension_semantics<subcore_parallel>], iteration_bounds = array<i64: 2, 16>, scalar_prefetch = 0 : i64, scratch_operands = 17 : i64, tpu.core_type = #tpu.core_type<sc_vector_subcore>, window_params = [{transform_indices = #map}, {transform_indices = #map}, {transform_indices = #map}]} {
    %mul3A = arith.constant 2 : i32
    %mul3A_0 = arith.muli %arg1, %mul3A : i32
    %add3A = arith.addi %mul3A_0, %arg0 : i32
    %mul3A_1 = arith.constant 128 : i32
    %mul3A_2 = arith.muli %add3A, %mul3A_1 : i32
    "tpu.region"() ({
      %run_scoped3A = tpu.sem_alloc : memref<!tpu.dma_semaphore, #tpu.memory_space<semaphore_mem>>
      %dma_start3A_74 = arith.constant 0 : i32
      %dma_start3A_75 = arith.constant 0 : i32
      %dma_start3A_76 = tpu.memref_slice %arg5[%dma_start3A_74, %dma_start3A_75] : memref<50x128xi32, #tpu.memory_space<vmem>> -> memref<8x128xi32, #tpu.memory_space<vmem>>
      %dma_start3A_77 = arith.constant 0 : i32
      %dma_start3A_78 = tpu.memref_slice %arg2[%dma_start3A_77, %mul3A_2] : memref<50x4096xi32, #tpu.memory_space<hbm>> -> memref<8x128xi32, #tpu.memory_space<hbm>>
      %dma_start3A_79 = arith.constant 0 : i32
      %dma_start3A_80 = arith.constant 0 : i32
      %dma_start3A_81 = tpu.memref_slice %arg5[%dma_start3A_79, %dma_start3A_80] : memref<50x128xi32, #tpu.memory_space<vmem>> -> memref<8x128xi32, #tpu.memory_space<vmem>>
      %dma_start3A_82 = arith.constant 0 : i32
      %dma_start3A_83 = tpu.memref_slice %arg2[%dma_start3A_82, %mul3A_2] : memref<50x4096xi32, #tpu.memory_space<hbm>> -> memref<8x128xi32, #tpu.memory_space<hbm>>
      tpu.enqueue_dma source(%dma_start3A_83 : memref<8x128xi32, #tpu.memory_space<hbm>>) target(%dma_start3A_81 : memref<8x128xi32, #tpu.memory_space<vmem>>) target_semaphore(%run_scoped3A : memref<!tpu.dma_semaphore, #tpu.memory_space<semaphore_mem>>)
      %dma_wait3A_84 = arith.constant 0 : i32
      %dma_wait3A_85 = arith.constant 0 : i32
      %dma_wait3A_86 = tpu.memref_slice %arg5[%dma_wait3A_84, %dma_wait3A_85] : memref<50x128xi32, #tpu.memory_space<vmem>> -> memref<8x128xi32, #tpu.memory_space<vmem>>
      %dma_wait3A_87 = arith.constant 0 : i32
      %dma_wait3A_88 = tpu.memref_slice %arg2[%dma_wait3A_87, %mul3A_2] : memref<50x4096xi32, #tpu.memory_space<hbm>> -> memref<8x128xi32, #tpu.memory_space<hbm>>
      %dma_wait3A_89 = arith.constant 0 : i32
      %dma_wait3A_90 = arith.constant 0 : i32
      %dma_wait3A_91 = tpu.memref_slice %arg5[%dma_wait3A_89, %dma_wait3A_90] : memref<50x128xi32, #tpu.memory_space<vmem>> -> memref<8x128xi32, #tpu.memory_space<vmem>>
      %dma_wait3A_92 = arith.constant 0 : i32
      %dma_wait3A_93 = tpu.memref_slice %arg2[%dma_wait3A_92, %mul3A_2] : memref<50x4096xi32, #tpu.memory_space<hbm>> -> memref<8x128xi32, #tpu.memory_space<hbm>>
      tpu.wait_dma2 semaphore(%run_scoped3A : memref<!tpu.dma_semaphore, #tpu.memory_space<semaphore_mem>>) src(%dma_wait3A_93 : memref<8x128xi32, #tpu.memory_space<hbm>>) dst(%dma_wait3A_91 : memref<8x128xi32, #tpu.memory_space<vmem>>)
      tpu.yield
    }) : () -> ()
    %dma_start3A = arith.constant 8 : i32
    %dma_start3A_3 = arith.constant 0 : i32
    %dma_start3A_4 = tpu.memref_slice %arg5[%dma_start3A, %dma_start3A_3] : memref<50x128xi32, #tpu.memory_space<vmem>> -> memref<42x128xi32, #tpu.memory_space<vmem>>
    %dma_start3A_5 = arith.constant 8 : i32
    %dma_start3A_6 = tpu.memref_slice %arg2[%dma_start3A_5, %mul3A_2] : memref<50x4096xi32, #tpu.memory_space<hbm>> -> memref<42x128xi32, #tpu.memory_space<hbm>>
    %dma_start3A_7 = arith.constant 8 : i32
    %dma_start3A_8 = arith.constant 0 : i32
    %dma_start3A_9 = tpu.memref_slice %arg5[%dma_start3A_7, %dma_start3A_8] : memref<50x128xi32, #tpu.memory_space<vmem>> -> memref<42x128xi32, #tpu.memory_space<vmem>>
    %dma_start3A_10 = arith.constant 8 : i32
    %dma_start3A_11 = tpu.memref_slice %arg2[%dma_start3A_10, %mul3A_2] : memref<50x4096xi32, #tpu.memory_space<hbm>> -> memref<42x128xi32, #tpu.memory_space<hbm>>
    tpu.enqueue_dma source(%dma_start3A_11 : memref<42x128xi32, #tpu.memory_space<hbm>>) target(%dma_start3A_9 : memref<42x128xi32, #tpu.memory_space<vmem>>) target_semaphore(%arg21 : memref<!tpu.dma_semaphore, #tpu.memory_space<semaphore_mem>>)
    %dma_start3A_12 = arith.constant 0 : i32
    %dma_start3A_13 = arith.constant 0 : i32
    %dma_start3A_14 = tpu.memref_slice %arg5[%dma_start3A_12, %dma_start3A_13] : memref<50x128xi32, #tpu.memory_space<vmem>> -> memref<1x128xi32, #tpu.memory_space<vmem>>
    %dma_start3A_15 = tpu.memref_squeeze %dma_start3A_14 : memref<1x128xi32, #tpu.memory_space<vmem>> -> memref<128xi32, #tpu.memory_space<vmem>>
    %dma_start3A_16 = arith.constant 0 : i32
    %dma_start3A_17 = arith.constant 0 : i32
    %dma_start3A_18 = tpu.memref_slice %arg3[%dma_start3A_16, %dma_start3A_17] : memref<100000x128xf32, #tpu.memory_space<hbm>> -> memref<100000x128xf32, #tpu.memory_space<hbm>>
    tpu.enqueue_indirect_dma source(%dma_start3A_18 : memref<100000x128xf32, #tpu.memory_space<hbm>>) target(%arg6 : memref<128x128xf32, #tpu.memory_space<vmem>>) offsets(%dma_start3A_15 : memref<128xi32, #tpu.memory_space<vmem>>) semaphore(%arg11 : memref<!tpu.dma_semaphore, #tpu.memory_space<semaphore_mem>>)
    %dma_start3A_19 = arith.constant 1 : i32
    %dma_start3A_20 = arith.constant 0 : i32
    %dma_start3A_21 = tpu.memref_slice %arg5[%dma_start3A_19, %dma_start3A_20] : memref<50x128xi32, #tpu.memory_space<vmem>> -> memref<1x128xi32, #tpu.memory_space<vmem>>
    %dma_start3A_22 = tpu.memref_squeeze %dma_start3A_21 : memref<1x128xi32, #tpu.memory_space<vmem>> -> memref<128xi32, #tpu.memory_space<vmem>>
    %dma_start3A_23 = arith.constant 0 : i32
    %dma_start3A_24 = arith.constant 0 : i32
    %dma_start3A_25 = tpu.memref_slice %arg3[%dma_start3A_23, %dma_start3A_24] : memref<100000x128xf32, #tpu.memory_space<hbm>> -> memref<100000x128xf32, #tpu.memory_space<hbm>>
    tpu.enqueue_indirect_dma source(%dma_start3A_25 : memref<100000x128xf32, #tpu.memory_space<hbm>>) target(%arg7 : memref<128x128xf32, #tpu.memory_space<vmem>>) offsets(%dma_start3A_22 : memref<128xi32, #tpu.memory_space<vmem>>) semaphore(%arg12 : memref<!tpu.dma_semaphore, #tpu.memory_space<semaphore_mem>>)
    %dma_start3A_26 = arith.constant 2 : i32
    %dma_start3A_27 = arith.constant 0 : i32
    %dma_start3A_28 = tpu.memref_slice %arg5[%dma_start3A_26, %dma_start3A_27] : memref<50x128xi32, #tpu.memory_space<vmem>> -> memref<1x128xi32, #tpu.memory_space<vmem>>
    %dma_start3A_29 = tpu.memref_squeeze %dma_start3A_28 : memref<1x128xi32, #tpu.memory_space<vmem>> -> memref<128xi32, #tpu.memory_space<vmem>>
    %dma_start3A_30 = arith.constant 0 : i32
    %dma_start3A_31 = arith.constant 0 : i32
    %dma_start3A_32 = tpu.memref_slice %arg3[%dma_start3A_30, %dma_start3A_31] : memref<100000x128xf32, #tpu.memory_space<hbm>> -> memref<100000x128xf32, #tpu.memory_space<hbm>>
    tpu.enqueue_indirect_dma source(%dma_start3A_32 : memref<100000x128xf32, #tpu.memory_space<hbm>>) target(%arg8 : memref<128x128xf32, #tpu.memory_space<vmem>>) offsets(%dma_start3A_29 : memref<128xi32, #tpu.memory_space<vmem>>) semaphore(%arg13 : memref<!tpu.dma_semaphore, #tpu.memory_space<semaphore_mem>>)
    %dma_start3A_33 = arith.constant 3 : i32
    %dma_start3A_34 = arith.constant 0 : i32
    %dma_start3A_35 = tpu.memref_slice %arg5[%dma_start3A_33, %dma_start3A_34] : memref<50x128xi32, #tpu.memory_space<vmem>> -> memref<1x128xi32, #tpu.memory_space<vmem>>
    %dma_start3A_36 = tpu.memref_squeeze %dma_start3A_35 : memref<1x128xi32, #tpu.memory_space<vmem>> -> memref<128xi32, #tpu.memory_space<vmem>>
    %dma_start3A_37 = arith.constant 0 : i32
    %dma_start3A_38 = arith.constant 0 : i32
    %dma_start3A_39 = tpu.memref_slice %arg3[%dma_start3A_37, %dma_start3A_38] : memref<100000x128xf32, #tpu.memory_space<hbm>> -> memref<100000x128xf32, #tpu.memory_space<hbm>>
    tpu.enqueue_indirect_dma source(%dma_start3A_39 : memref<100000x128xf32, #tpu.memory_space<hbm>>) target(%arg9 : memref<128x128xf32, #tpu.memory_space<vmem>>) offsets(%dma_start3A_36 : memref<128xi32, #tpu.memory_space<vmem>>) semaphore(%arg14 : memref<!tpu.dma_semaphore, #tpu.memory_space<semaphore_mem>>)
    %dma_wait3A = arith.constant 8 : i32
    %dma_wait3A_40 = arith.constant 0 : i32
    %dma_wait3A_41 = tpu.memref_slice %arg5[%dma_wait3A, %dma_wait3A_40] : memref<50x128xi32, #tpu.memory_space<vmem>> -> memref<42x128xi32, #tpu.memory_space<vmem>>
    %dma_wait3A_42 = arith.constant 8 : i32
    %dma_wait3A_43 = tpu.memref_slice %arg2[%dma_wait3A_42, %mul3A_2] : memref<50x4096xi32, #tpu.memory_space<hbm>> -> memref<42x128xi32, #tpu.memory_space<hbm>>
    %dma_wait3A_44 = arith.constant 8 : i32
    %dma_wait3A_45 = arith.constant 0 : i32
    %dma_wait3A_46 = tpu.memref_slice %arg5[%dma_wait3A_44, %dma_wait3A_45] : memref<50x128xi32, #tpu.memory_space<vmem>> -> memref<42x128xi32, #tpu.memory_space<vmem>>
    %dma_wait3A_47 = arith.constant 8 : i32
    %dma_wait3A_48 = tpu.memref_slice %arg2[%dma_wait3A_47, %mul3A_2] : memref<50x4096xi32, #tpu.memory_space<hbm>> -> memref<42x128xi32, #tpu.memory_space<hbm>>
    tpu.wait_dma2 semaphore(%arg21 : memref<!tpu.dma_semaphore, #tpu.memory_space<semaphore_mem>>) src(%dma_wait3A_48 : memref<42x128xi32, #tpu.memory_space<hbm>>) dst(%dma_wait3A_46 : memref<42x128xi32, #tpu.memory_space<vmem>>)
    %scan3A = arith.constant 0 : i32
    %scan3A_49 = arith.constant 0 : i32
    %scan3A_50 = arith.constant 10 : i32
    %scan3A_51 = arith.addi %scan3A_49, %scan3A_50 : i32
    %scan3A_52 = arith.constant 1 : i32
    scf.for %scan3A_74 = %scan3A_49 to %scan3A_51 step %scan3A_52  : i32 {
      %mul3A_75 = arith.constant 5 : i32
      %mul3A_76 = arith.muli %mul3A_75, %scan3A_74 : i32
      %add3A_77 = arith.constant 0 : i32
      %add3A_78 = arith.addi %mul3A_76, %add3A_77 : i32
      %dma_wait3A_79 = arith.constant 0 : i32
      %dma_wait3A_80 = arith.constant 0 : i32
      %dma_wait3A_81 = tpu.memref_slice %arg5[%dma_wait3A_79, %dma_wait3A_80] : memref<50x128xi32, #tpu.memory_space<vmem>> -> memref<1x128xi32, #tpu.memory_space<vmem>>
      %dma_wait3A_82 = tpu.memref_squeeze %dma_wait3A_81 : memref<1x128xi32, #tpu.memory_space<vmem>> -> memref<128xi32, #tpu.memory_space<vmem>>
      %dma_wait3A_83 = arith.constant 0 : i32
      %dma_wait3A_84 = arith.constant 0 : i32
      %dma_wait3A_85 = tpu.memref_slice %arg3[%dma_wait3A_83, %dma_wait3A_84] : memref<100000x128xf32, #tpu.memory_space<hbm>> -> memref<100000x128xf32, #tpu.memory_space<hbm>>
      tpu.wait_indirect_dma semaphore(%arg11 : memref<!tpu.dma_semaphore, #tpu.memory_space<semaphore_mem>>) src(%dma_wait3A_85 : memref<100000x128xf32, #tpu.memory_space<hbm>>) dst(%arg6 : memref<128x128xf32, #tpu.memory_space<vmem>>)
      %mul3A_86 = arith.constant 4096 : i32
      %mul3A_87 = arith.muli %add3A_78, %mul3A_86 : i32
      %add3A_88 = arith.addi %mul3A_87, %mul3A_2 : i32
      %dma_start3A_89 = arith.constant 0 : i32
      %dma_start3A_90 = tpu.memref_slice %arg4[%add3A_88, %dma_start3A_89] : memref<204800x128xf32, #tpu.memory_space<hbm>> -> memref<128x128xf32, #tpu.memory_space<hbm>>
      %dma_start3A_91 = arith.constant 0 : i32
      %dma_start3A_92 = tpu.memref_slice %arg4[%add3A_88, %dma_start3A_91] : memref<204800x128xf32, #tpu.memory_space<hbm>> -> memref<128x128xf32, #tpu.memory_space<hbm>>
      tpu.enqueue_dma source(%arg6 : memref<128x128xf32, #tpu.memory_space<vmem>>) target(%dma_start3A_92 : memref<128x128xf32, #tpu.memory_space<hbm>>) target_semaphore(%arg16 : memref<!tpu.dma_semaphore, #tpu.memory_space<semaphore_mem>>)
      %add3A_93 = arith.constant 5 : i32
      %add3A_94 = arith.addi %add3A_78, %add3A_93 : i32
      %sub3A = arith.constant 1 : i32
      %sub3A_95 = arith.subi %add3A_94, %sub3A : i32
      %lt3A = arith.constant 50 : i32
      %lt3A_96 = arith.cmpi slt, %sub3A_95, %lt3A : i32
      %convert_element_type3A = arith.extui %lt3A_96 : i1 to i32
      %cond3A = arith.constant 0 : i32
      %cond3A_97 = arith.cmpi ne, %convert_element_type3A, %cond3A : i32
      scf.if %cond3A_97 {
        %ge3A = arith.constant 1 : i32
        %ge3A_206 = arith.cmpi sge, %add3A_78, %ge3A : i32
        %convert_element_type3A_207 = arith.extui %ge3A_206 : i1 to i32
        %cond3A_208 = arith.constant 0 : i32
        %cond3A_209 = arith.cmpi ne, %convert_element_type3A_207, %cond3A_208 : i32
        scf.if %cond3A_209 {
          %dma_wait3A_216 = arith.constant 0 : i32
          %dma_wait3A_217 = tpu.memref_slice %arg4[%mul3A_2, %dma_wait3A_216] : memref<204800x128xf32, #tpu.memory_space<hbm>> -> memref<128x128xf32, #tpu.memory_space<hbm>>
          %dma_wait3A_218 = arith.constant 0 : i32
          %dma_wait3A_219 = tpu.memref_slice %arg4[%mul3A_2, %dma_wait3A_218] : memref<204800x128xf32, #tpu.memory_space<hbm>> -> memref<128x128xf32, #tpu.memory_space<hbm>>
          tpu.wait_dma2 semaphore(%arg20 : memref<!tpu.dma_semaphore, #tpu.memory_space<semaphore_mem>>) src(%arg10 : memref<128x128xf32, #tpu.memory_space<vmem>>) dst(%dma_wait3A_219 : memref<128x128xf32, #tpu.memory_space<hbm>>)
        } else {
        }
        %dma_start3A_210 = arith.constant 0 : i32
        %dma_start3A_211 = tpu.memref_slice %arg5[%sub3A_95, %dma_start3A_210] : memref<50x128xi32, #tpu.memory_space<vmem>> -> memref<1x128xi32, #tpu.memory_space<vmem>>
        %dma_start3A_212 = tpu.memref_squeeze %dma_start3A_211 : memref<1x128xi32, #tpu.memory_space<vmem>> -> memref<128xi32, #tpu.memory_space<vmem>>
        %dma_start3A_213 = arith.constant 0 : i32
        %dma_start3A_214 = arith.constant 0 : i32
        %dma_start3A_215 = tpu.memref_slice %arg3[%dma_start3A_213, %dma_start3A_214] : memref<100000x128xf32, #tpu.memory_space<hbm>> -> memref<100000x128xf32, #tpu.memory_space<hbm>>
        tpu.enqueue_indirect_dma source(%dma_start3A_215 : memref<100000x128xf32, #tpu.memory_space<hbm>>) target(%arg10 : memref<128x128xf32, #tpu.memory_space<vmem>>) offsets(%dma_start3A_212 : memref<128xi32, #tpu.memory_space<vmem>>) semaphore(%arg15 : memref<!tpu.dma_semaphore, #tpu.memory_space<semaphore_mem>>)
      } else {
      }
      %mul3A_98 = arith.constant 5 : i32
      %mul3A_99 = arith.muli %mul3A_98, %scan3A_74 : i32
      %add3A_100 = arith.constant 1 : i32
      %add3A_101 = arith.addi %mul3A_99, %add3A_100 : i32
      %dma_wait3A_102 = arith.constant 0 : i32
      %dma_wait3A_103 = arith.constant 0 : i32
      %dma_wait3A_104 = tpu.memref_slice %arg5[%dma_wait3A_102, %dma_wait3A_103] : memref<50x128xi32, #tpu.memory_space<vmem>> -> memref<1x128xi32, #tpu.memory_space<vmem>>
      %dma_wait3A_105 = tpu.memref_squeeze %dma_wait3A_104 : memref<1x128xi32, #tpu.memory_space<vmem>> -> memref<128xi32, #tpu.memory_space<vmem>>
      %dma_wait3A_106 = arith.constant 0 : i32
      %dma_wait3A_107 = arith.constant 0 : i32
      %dma_wait3A_108 = tpu.memref_slice %arg3[%dma_wait3A_106, %dma_wait3A_107] : memref<100000x128xf32, #tpu.memory_space<hbm>> -> memref<100000x128xf32, #tpu.memory_space<hbm>>
      tpu.wait_indirect_dma semaphore(%arg12 : memref<!tpu.dma_semaphore, #tpu.memory_space<semaphore_mem>>) src(%dma_wait3A_108 : memref<100000x128xf32, #tpu.memory_space<hbm>>) dst(%arg7 : memref<128x128xf32, #tpu.memory_space<vmem>>)
      %mul3A_109 = arith.constant 4096 : i32
      %mul3A_110 = arith.muli %add3A_101, %mul3A_109 : i32
      %add3A_111 = arith.addi %mul3A_110, %mul3A_2 : i32
      %dma_start3A_112 = arith.constant 0 : i32
      %dma_start3A_113 = tpu.memref_slice %arg4[%add3A_111, %dma_start3A_112] : memref<204800x128xf32, #tpu.memory_space<hbm>> -> memref<128x128xf32, #tpu.memory_space<hbm>>
      %dma_start3A_114 = arith.constant 0 : i32
      %dma_start3A_115 = tpu.memref_slice %arg4[%add3A_111, %dma_start3A_114] : memref<204800x128xf32, #tpu.memory_space<hbm>> -> memref<128x128xf32, #tpu.memory_space<hbm>>
      tpu.enqueue_dma source(%arg7 : memref<128x128xf32, #tpu.memory_space<vmem>>) target(%dma_start3A_115 : memref<128x128xf32, #tpu.memory_space<hbm>>) target_semaphore(%arg17 : memref<!tpu.dma_semaphore, #tpu.memory_space<semaphore_mem>>)
      %add3A_116 = arith.constant 5 : i32
      %add3A_117 = arith.addi %add3A_101, %add3A_116 : i32
      %sub3A_118 = arith.constant 1 : i32
      %sub3A_119 = arith.subi %add3A_117, %sub3A_118 : i32
      %lt3A_120 = arith.constant 50 : i32
      %lt3A_121 = arith.cmpi slt, %sub3A_119, %lt3A_120 : i32
      %convert_element_type3A_122 = arith.extui %lt3A_121 : i1 to i32
      %cond3A_123 = arith.constant 0 : i32
      %cond3A_124 = arith.cmpi ne, %convert_element_type3A_122, %cond3A_123 : i32
      scf.if %cond3A_124 {
        %ge3A = arith.constant 1 : i32
        %ge3A_206 = arith.cmpi sge, %add3A_101, %ge3A : i32
        %convert_element_type3A_207 = arith.extui %ge3A_206 : i1 to i32
        %cond3A_208 = arith.constant 0 : i32
        %cond3A_209 = arith.cmpi ne, %convert_element_type3A_207, %cond3A_208 : i32
        scf.if %cond3A_209 {
          %dma_wait3A_216 = arith.constant 0 : i32
          %dma_wait3A_217 = tpu.memref_slice %arg4[%mul3A_2, %dma_wait3A_216] : memref<204800x128xf32, #tpu.memory_space<hbm>> -> memref<128x128xf32, #tpu.memory_space<hbm>>
          %dma_wait3A_218 = arith.constant 0 : i32
          %dma_wait3A_219 = tpu.memref_slice %arg4[%mul3A_2, %dma_wait3A_218] : memref<204800x128xf32, #tpu.memory_space<hbm>> -> memref<128x128xf32, #tpu.memory_space<hbm>>
          tpu.wait_dma2 semaphore(%arg16 : memref<!tpu.dma_semaphore, #tpu.memory_space<semaphore_mem>>) src(%arg6 : memref<128x128xf32, #tpu.memory_space<vmem>>) dst(%dma_wait3A_219 : memref<128x128xf32, #tpu.memory_space<hbm>>)
        } else {
        }
        %dma_start3A_210 = arith.constant 0 : i32
        %dma_start3A_211 = tpu.memref_slice %arg5[%sub3A_119, %dma_start3A_210] : memref<50x128xi32, #tpu.memory_space<vmem>> -> memref<1x128xi32, #tpu.memory_space<vmem>>
        %dma_start3A_212 = tpu.memref_squeeze %dma_start3A_211 : memref<1x128xi32, #tpu.memory_space<vmem>> -> memref<128xi32, #tpu.memory_space<vmem>>
        %dma_start3A_213 = arith.constant 0 : i32
        %dma_start3A_214 = arith.constant 0 : i32
        %dma_start3A_215 = tpu.memref_slice %arg3[%dma_start3A_213, %dma_start3A_214] : memref<100000x128xf32, #tpu.memory_space<hbm>> -> memref<100000x128xf32, #tpu.memory_space<hbm>>
        tpu.enqueue_indirect_dma source(%dma_start3A_215 : memref<100000x128xf32, #tpu.memory_space<hbm>>) target(%arg6 : memref<128x128xf32, #tpu.memory_space<vmem>>) offsets(%dma_start3A_212 : memref<128xi32, #tpu.memory_space<vmem>>) semaphore(%arg11 : memref<!tpu.dma_semaphore, #tpu.memory_space<semaphore_mem>>)
      } else {
      }
      %mul3A_125 = arith.constant 5 : i32
      %mul3A_126 = arith.muli %mul3A_125, %scan3A_74 : i32
      %add3A_127 = arith.constant 2 : i32
      %add3A_128 = arith.addi %mul3A_126, %add3A_127 : i32
      %dma_wait3A_129 = arith.constant 0 : i32
      %dma_wait3A_130 = arith.constant 0 : i32
      %dma_wait3A_131 = tpu.memref_slice %arg5[%dma_wait3A_129, %dma_wait3A_130] : memref<50x128xi32, #tpu.memory_space<vmem>> -> memref<1x128xi32, #tpu.memory_space<vmem>>
      %dma_wait3A_132 = tpu.memref_squeeze %dma_wait3A_131 : memref<1x128xi32, #tpu.memory_space<vmem>> -> memref<128xi32, #tpu.memory_space<vmem>>
      %dma_wait3A_133 = arith.constant 0 : i32
      %dma_wait3A_134 = arith.constant 0 : i32
      %dma_wait3A_135 = tpu.memref_slice %arg3[%dma_wait3A_133, %dma_wait3A_134] : memref<100000x128xf32, #tpu.memory_space<hbm>> -> memref<100000x128xf32, #tpu.memory_space<hbm>>
      tpu.wait_indirect_dma semaphore(%arg13 : memref<!tpu.dma_semaphore, #tpu.memory_space<semaphore_mem>>) src(%dma_wait3A_135 : memref<100000x128xf32, #tpu.memory_space<hbm>>) dst(%arg8 : memref<128x128xf32, #tpu.memory_space<vmem>>)
      %mul3A_136 = arith.constant 4096 : i32
      %mul3A_137 = arith.muli %add3A_128, %mul3A_136 : i32
      %add3A_138 = arith.addi %mul3A_137, %mul3A_2 : i32
      %dma_start3A_139 = arith.constant 0 : i32
      %dma_start3A_140 = tpu.memref_slice %arg4[%add3A_138, %dma_start3A_139] : memref<204800x128xf32, #tpu.memory_space<hbm>> -> memref<128x128xf32, #tpu.memory_space<hbm>>
      %dma_start3A_141 = arith.constant 0 : i32
      %dma_start3A_142 = tpu.memref_slice %arg4[%add3A_138, %dma_start3A_141] : memref<204800x128xf32, #tpu.memory_space<hbm>> -> memref<128x128xf32, #tpu.memory_space<hbm>>
      tpu.enqueue_dma source(%arg8 : memref<128x128xf32, #tpu.memory_space<vmem>>) target(%dma_start3A_142 : memref<128x128xf32, #tpu.memory_space<hbm>>) target_semaphore(%arg18 : memref<!tpu.dma_semaphore, #tpu.memory_space<semaphore_mem>>)
      %add3A_143 = arith.constant 5 : i32
      %add3A_144 = arith.addi %add3A_128, %add3A_143 : i32
      %sub3A_145 = arith.constant 1 : i32
      %sub3A_146 = arith.subi %add3A_144, %sub3A_145 : i32
      %lt3A_147 = arith.constant 50 : i32
      %lt3A_148 = arith.cmpi slt, %sub3A_146, %lt3A_147 : i32
      %convert_element_type3A_149 = arith.extui %lt3A_148 : i1 to i32
      %cond3A_150 = arith.constant 0 : i32
      %cond3A_151 = arith.cmpi ne, %convert_element_type3A_149, %cond3A_150 : i32
      scf.if %cond3A_151 {
        %ge3A = arith.constant 1 : i32
        %ge3A_206 = arith.cmpi sge, %add3A_128, %ge3A : i32
        %convert_element_type3A_207 = arith.extui %ge3A_206 : i1 to i32
        %cond3A_208 = arith.constant 0 : i32
        %cond3A_209 = arith.cmpi ne, %convert_element_type3A_207, %cond3A_208 : i32
        scf.if %cond3A_209 {
          %dma_wait3A_216 = arith.constant 0 : i32
          %dma_wait3A_217 = tpu.memref_slice %arg4[%mul3A_2, %dma_wait3A_216] : memref<204800x128xf32, #tpu.memory_space<hbm>> -> memref<128x128xf32, #tpu.memory_space<hbm>>
          %dma_wait3A_218 = arith.constant 0 : i32
          %dma_wait3A_219 = tpu.memref_slice %arg4[%mul3A_2, %dma_wait3A_218] : memref<204800x128xf32, #tpu.memory_space<hbm>> -> memref<128x128xf32, #tpu.memory_space<hbm>>
          tpu.wait_dma2 semaphore(%arg17 : memref<!tpu.dma_semaphore, #tpu.memory_space<semaphore_mem>>) src(%arg7 : memref<128x128xf32, #tpu.memory_space<vmem>>) dst(%dma_wait3A_219 : memref<128x128xf32, #tpu.memory_space<hbm>>)
        } else {
        }
        %dma_start3A_210 = arith.constant 0 : i32
        %dma_start3A_211 = tpu.memref_slice %arg5[%sub3A_146, %dma_start3A_210] : memref<50x128xi32, #tpu.memory_space<vmem>> -> memref<1x128xi32, #tpu.memory_space<vmem>>
        %dma_start3A_212 = tpu.memref_squeeze %dma_start3A_211 : memref<1x128xi32, #tpu.memory_space<vmem>> -> memref<128xi32, #tpu.memory_space<vmem>>
        %dma_start3A_213 = arith.constant 0 : i32
        %dma_start3A_214 = arith.constant 0 : i32
        %dma_start3A_215 = tpu.memref_slice %arg3[%dma_start3A_213, %dma_start3A_214] : memref<100000x128xf32, #tpu.memory_space<hbm>> -> memref<100000x128xf32, #tpu.memory_space<hbm>>
        tpu.enqueue_indirect_dma source(%dma_start3A_215 : memref<100000x128xf32, #tpu.memory_space<hbm>>) target(%arg7 : memref<128x128xf32, #tpu.memory_space<vmem>>) offsets(%dma_start3A_212 : memref<128xi32, #tpu.memory_space<vmem>>) semaphore(%arg12 : memref<!tpu.dma_semaphore, #tpu.memory_space<semaphore_mem>>)
      } else {
      }
      %mul3A_152 = arith.constant 5 : i32
      %mul3A_153 = arith.muli %mul3A_152, %scan3A_74 : i32
      %add3A_154 = arith.constant 3 : i32
      %add3A_155 = arith.addi %mul3A_153, %add3A_154 : i32
      %dma_wait3A_156 = arith.constant 0 : i32
      %dma_wait3A_157 = arith.constant 0 : i32
      %dma_wait3A_158 = tpu.memref_slice %arg5[%dma_wait3A_156, %dma_wait3A_157] : memref<50x128xi32, #tpu.memory_space<vmem>> -> memref<1x128xi32, #tpu.memory_space<vmem>>
      %dma_wait3A_159 = tpu.memref_squeeze %dma_wait3A_158 : memref<1x128xi32, #tpu.memory_space<vmem>> -> memref<128xi32, #tpu.memory_space<vmem>>
      %dma_wait3A_160 = arith.constant 0 : i32
      %dma_wait3A_161 = arith.constant 0 : i32
      %dma_wait3A_162 = tpu.memref_slice %arg3[%dma_wait3A_160, %dma_wait3A_161] : memref<100000x128xf32, #tpu.memory_space<hbm>> -> memref<100000x128xf32, #tpu.memory_space<hbm>>
      tpu.wait_indirect_dma semaphore(%arg14 : memref<!tpu.dma_semaphore, #tpu.memory_space<semaphore_mem>>) src(%dma_wait3A_162 : memref<100000x128xf32, #tpu.memory_space<hbm>>) dst(%arg9 : memref<128x128xf32, #tpu.memory_space<vmem>>)
      %mul3A_163 = arith.constant 4096 : i32
      %mul3A_164 = arith.muli %add3A_155, %mul3A_163 : i32
      %add3A_165 = arith.addi %mul3A_164, %mul3A_2 : i32
      %dma_start3A_166 = arith.constant 0 : i32
      %dma_start3A_167 = tpu.memref_slice %arg4[%add3A_165, %dma_start3A_166] : memref<204800x128xf32, #tpu.memory_space<hbm>> -> memref<128x128xf32, #tpu.memory_space<hbm>>
      %dma_start3A_168 = arith.constant 0 : i32
      %dma_start3A_169 = tpu.memref_slice %arg4[%add3A_165, %dma_start3A_168] : memref<204800x128xf32, #tpu.memory_space<hbm>> -> memref<128x128xf32, #tpu.memory_space<hbm>>
      tpu.enqueue_dma source(%arg9 : memref<128x128xf32, #tpu.memory_space<vmem>>) target(%dma_start3A_169 : memref<128x128xf32, #tpu.memory_space<hbm>>) target_semaphore(%arg19 : memref<!tpu.dma_semaphore, #tpu.memory_space<semaphore_mem>>)
      %add3A_170 = arith.constant 5 : i32
      %add3A_171 = arith.addi %add3A_155, %add3A_170 : i32
      %sub3A_172 = arith.constant 1 : i32
      %sub3A_173 = arith.subi %add3A_171, %sub3A_172 : i32
      %lt3A_174 = arith.constant 50 : i32
      %lt3A_175 = arith.cmpi slt, %sub3A_173, %lt3A_174 : i32
      %convert_element_type3A_176 = arith.extui %lt3A_175 : i1 to i32
      %cond3A_177 = arith.constant 0 : i32
      %cond3A_178 = arith.cmpi ne, %convert_element_type3A_176, %cond3A_177 : i32
      scf.if %cond3A_178 {
        %ge3A = arith.constant 1 : i32
        %ge3A_206 = arith.cmpi sge, %add3A_155, %ge3A : i32
        %convert_element_type3A_207 = arith.extui %ge3A_206 : i1 to i32
        %cond3A_208 = arith.constant 0 : i32
        %cond3A_209 = arith.cmpi ne, %convert_element_type3A_207, %cond3A_208 : i32
        scf.if %cond3A_209 {
          %dma_wait3A_216 = arith.constant 0 : i32
          %dma_wait3A_217 = tpu.memref_slice %arg4[%mul3A_2, %dma_wait3A_216] : memref<204800x128xf32, #tpu.memory_space<hbm>> -> memref<128x128xf32, #tpu.memory_space<hbm>>
          %dma_wait3A_218 = arith.constant 0 : i32
          %dma_wait3A_219 = tpu.memref_slice %arg4[%mul3A_2, %dma_wait3A_218] : memref<204800x128xf32, #tpu.memory_space<hbm>> -> memref<128x128xf32, #tpu.memory_space<hbm>>
          tpu.wait_dma2 semaphore(%arg18 : memref<!tpu.dma_semaphore, #tpu.memory_space<semaphore_mem>>) src(%arg8 : memref<128x128xf32, #tpu.memory_space<vmem>>) dst(%dma_wait3A_219 : memref<128x128xf32, #tpu.memory_space<hbm>>)
        } else {
        }
        %dma_start3A_210 = arith.constant 0 : i32
        %dma_start3A_211 = tpu.memref_slice %arg5[%sub3A_173, %dma_start3A_210] : memref<50x128xi32, #tpu.memory_space<vmem>> -> memref<1x128xi32, #tpu.memory_space<vmem>>
        %dma_start3A_212 = tpu.memref_squeeze %dma_start3A_211 : memref<1x128xi32, #tpu.memory_space<vmem>> -> memref<128xi32, #tpu.memory_space<vmem>>
        %dma_start3A_213 = arith.constant 0 : i32
        %dma_start3A_214 = arith.constant 0 : i32
        %dma_start3A_215 = tpu.memref_slice %arg3[%dma_start3A_213, %dma_start3A_214] : memref<100000x128xf32, #tpu.memory_space<hbm>> -> memref<100000x128xf32, #tpu.memory_space<hbm>>
        tpu.enqueue_indirect_dma source(%dma_start3A_215 : memref<100000x128xf32, #tpu.memory_space<hbm>>) target(%arg8 : memref<128x128xf32, #tpu.memory_space<vmem>>) offsets(%dma_start3A_212 : memref<128xi32, #tpu.memory_space<vmem>>) semaphore(%arg13 : memref<!tpu.dma_semaphore, #tpu.memory_space<semaphore_mem>>)
      } else {
      }
      %mul3A_179 = arith.constant 5 : i32
      %mul3A_180 = arith.muli %mul3A_179, %scan3A_74 : i32
      %add3A_181 = arith.constant 4 : i32
      %add3A_182 = arith.addi %mul3A_180, %add3A_181 : i32
      %dma_wait3A_183 = arith.constant 0 : i32
      %dma_wait3A_184 = arith.constant 0 : i32
      %dma_wait3A_185 = tpu.memref_slice %arg5[%dma_wait3A_183, %dma_wait3A_184] : memref<50x128xi32, #tpu.memory_space<vmem>> -> memref<1x128xi32, #tpu.memory_space<vmem>>
      %dma_wait3A_186 = tpu.memref_squeeze %dma_wait3A_185 : memref<1x128xi32, #tpu.memory_space<vmem>> -> memref<128xi32, #tpu.memory_space<vmem>>
      %dma_wait3A_187 = arith.constant 0 : i32
      %dma_wait3A_188 = arith.constant 0 : i32
      %dma_wait3A_189 = tpu.memref_slice %arg3[%dma_wait3A_187, %dma_wait3A_188] : memref<100000x128xf32, #tpu.memory_space<hbm>> -> memref<100000x128xf32, #tpu.memory_space<hbm>>
      tpu.wait_indirect_dma semaphore(%arg15 : memref<!tpu.dma_semaphore, #tpu.memory_space<semaphore_mem>>) src(%dma_wait3A_189 : memref<100000x128xf32, #tpu.memory_space<hbm>>) dst(%arg10 : memref<128x128xf32, #tpu.memory_space<vmem>>)
      %mul3A_190 = arith.constant 4096 : i32
      %mul3A_191 = arith.muli %add3A_182, %mul3A_190 : i32
      %add3A_192 = arith.addi %mul3A_191, %mul3A_2 : i32
      %dma_start3A_193 = arith.constant 0 : i32
      %dma_start3A_194 = tpu.memref_slice %arg4[%add3A_192, %dma_start3A_193] : memref<204800x128xf32, #tpu.memory_space<hbm>> -> memref<128x128xf32, #tpu.memory_space<hbm>>
      %dma_start3A_195 = arith.constant 0 : i32
      %dma_start3A_196 = tpu.memref_slice %arg4[%add3A_192, %dma_start3A_195] : memref<204800x128xf32, #tpu.memory_space<hbm>> -> memref<128x128xf32, #tpu.memory_space<hbm>>
      tpu.enqueue_dma source(%arg10 : memref<128x128xf32, #tpu.memory_space<vmem>>) target(%dma_start3A_196 : memref<128x128xf32, #tpu.memory_space<hbm>>) target_semaphore(%arg20 : memref<!tpu.dma_semaphore, #tpu.memory_space<semaphore_mem>>)
      %add3A_197 = arith.constant 5 : i32
      %add3A_198 = arith.addi %add3A_182, %add3A_197 : i32
      %sub3A_199 = arith.constant 1 : i32
      %sub3A_200 = arith.subi %add3A_198, %sub3A_199 : i32
      %lt3A_201 = arith.constant 50 : i32
      %lt3A_202 = arith.cmpi slt, %sub3A_200, %lt3A_201 : i32
      %convert_element_type3A_203 = arith.extui %lt3A_202 : i1 to i32
      %cond3A_204 = arith.constant 0 : i32
      %cond3A_205 = arith.cmpi ne, %convert_element_type3A_203, %cond3A_204 : i32
      scf.if %cond3A_205 {
        %ge3A = arith.constant 1 : i32
        %ge3A_206 = arith.cmpi sge, %add3A_182, %ge3A : i32
        %convert_element_type3A_207 = arith.extui %ge3A_206 : i1 to i32
        %cond3A_208 = arith.constant 0 : i32
        %cond3A_209 = arith.cmpi ne, %convert_element_type3A_207, %cond3A_208 : i32
        scf.if %cond3A_209 {
          %dma_wait3A_216 = arith.constant 0 : i32
          %dma_wait3A_217 = tpu.memref_slice %arg4[%mul3A_2, %dma_wait3A_216] : memref<204800x128xf32, #tpu.memory_space<hbm>> -> memref<128x128xf32, #tpu.memory_space<hbm>>
          %dma_wait3A_218 = arith.constant 0 : i32
          %dma_wait3A_219 = tpu.memref_slice %arg4[%mul3A_2, %dma_wait3A_218] : memref<204800x128xf32, #tpu.memory_space<hbm>> -> memref<128x128xf32, #tpu.memory_space<hbm>>
          tpu.wait_dma2 semaphore(%arg19 : memref<!tpu.dma_semaphore, #tpu.memory_space<semaphore_mem>>) src(%arg9 : memref<128x128xf32, #tpu.memory_space<vmem>>) dst(%dma_wait3A_219 : memref<128x128xf32, #tpu.memory_space<hbm>>)
        } else {
        }
        %dma_start3A_210 = arith.constant 0 : i32
        %dma_start3A_211 = tpu.memref_slice %arg5[%sub3A_200, %dma_start3A_210] : memref<50x128xi32, #tpu.memory_space<vmem>> -> memref<1x128xi32, #tpu.memory_space<vmem>>
        %dma_start3A_212 = tpu.memref_squeeze %dma_start3A_211 : memref<1x128xi32, #tpu.memory_space<vmem>> -> memref<128xi32, #tpu.memory_space<vmem>>
        %dma_start3A_213 = arith.constant 0 : i32
        %dma_start3A_214 = arith.constant 0 : i32
        %dma_start3A_215 = tpu.memref_slice %arg3[%dma_start3A_213, %dma_start3A_214] : memref<100000x128xf32, #tpu.memory_space<hbm>> -> memref<100000x128xf32, #tpu.memory_space<hbm>>
        tpu.enqueue_indirect_dma source(%dma_start3A_215 : memref<100000x128xf32, #tpu.memory_space<hbm>>) target(%arg9 : memref<128x128xf32, #tpu.memory_space<vmem>>) offsets(%dma_start3A_212 : memref<128xi32, #tpu.memory_space<vmem>>) semaphore(%arg14 : memref<!tpu.dma_semaphore, #tpu.memory_space<semaphore_mem>>)
      } else {
      }
    }
    %scan3A_53 = arith.constant 10 : i32
    %dma_wait3A_54 = arith.constant 0 : i32
    %dma_wait3A_55 = tpu.memref_slice %arg4[%mul3A_2, %dma_wait3A_54] : memref<204800x128xf32, #tpu.memory_space<hbm>> -> memref<128x128xf32, #tpu.memory_space<hbm>>
    %dma_wait3A_56 = arith.constant 0 : i32
    %dma_wait3A_57 = tpu.memref_slice %arg4[%mul3A_2, %dma_wait3A_56] : memref<204800x128xf32, #tpu.memory_space<hbm>> -> memref<128x128xf32, #tpu.memory_space<hbm>>
    tpu.wait_dma2 semaphore(%arg16 : memref<!tpu.dma_semaphore, #tpu.memory_space<semaphore_mem>>) src(%arg6 : memref<128x128xf32, #tpu.memory_space<vmem>>) dst(%dma_wait3A_57 : memref<128x128xf32, #tpu.memory_space<hbm>>)
    %dma_wait3A_58 = arith.constant 0 : i32
    %dma_wait3A_59 = tpu.memref_slice %arg4[%mul3A_2, %dma_wait3A_58] : memref<204800x128xf32, #tpu.memory_space<hbm>> -> memref<128x128xf32, #tpu.memory_space<hbm>>
    %dma_wait3A_60 = arith.constant 0 : i32
    %dma_wait3A_61 = tpu.memref_slice %arg4[%mul3A_2, %dma_wait3A_60] : memref<204800x128xf32, #tpu.memory_space<hbm>> -> memref<128x128xf32, #tpu.memory_space<hbm>>
    tpu.wait_dma2 semaphore(%arg17 : memref<!tpu.dma_semaphore, #tpu.memory_space<semaphore_mem>>) src(%arg7 : memref<128x128xf32, #tpu.memory_space<vmem>>) dst(%dma_wait3A_61 : memref<128x128xf32, #tpu.memory_space<hbm>>)
    %dma_wait3A_62 = arith.constant 0 : i32
    %dma_wait3A_63 = tpu.memref_slice %arg4[%mul3A_2, %dma_wait3A_62] : memref<204800x128xf32, #tpu.memory_space<hbm>> -> memref<128x128xf32, #tpu.memory_space<hbm>>
    %dma_wait3A_64 = arith.constant 0 : i32
    %dma_wait3A_65 = tpu.memref_slice %arg4[%mul3A_2, %dma_wait3A_64] : memref<204800x128xf32, #tpu.memory_space<hbm>> -> memref<128x128xf32, #tpu.memory_space<hbm>>
    tpu.wait_dma2 semaphore(%arg18 : memref<!tpu.dma_semaphore, #tpu.memory_space<semaphore_mem>>) src(%arg8 : memref<128x128xf32, #tpu.memory_space<vmem>>) dst(%dma_wait3A_65 : memref<128x128xf32, #tpu.memory_space<hbm>>)
    %dma_wait3A_66 = arith.constant 0 : i32
    %dma_wait3A_67 = tpu.memref_slice %arg4[%mul3A_2, %dma_wait3A_66] : memref<204800x128xf32, #tpu.memory_space<hbm>> -> memref<128x128xf32, #tpu.memory_space<hbm>>
    %dma_wait3A_68 = arith.constant 0 : i32
    %dma_wait3A_69 = tpu.memref_slice %arg4[%mul3A_2, %dma_wait3A_68] : memref<204800x128xf32, #tpu.memory_space<hbm>> -> memref<128x128xf32, #tpu.memory_space<hbm>>
    tpu.wait_dma2 semaphore(%arg19 : memref<!tpu.dma_semaphore, #tpu.memory_space<semaphore_mem>>) src(%arg9 : memref<128x128xf32, #tpu.memory_space<vmem>>) dst(%dma_wait3A_69 : memref<128x128xf32, #tpu.memory_space<hbm>>)
    %dma_wait3A_70 = arith.constant 0 : i32
    %dma_wait3A_71 = tpu.memref_slice %arg4[%mul3A_2, %dma_wait3A_70] : memref<204800x128xf32, #tpu.memory_space<hbm>> -> memref<128x128xf32, #tpu.memory_space<hbm>>
    %dma_wait3A_72 = arith.constant 0 : i32
    %dma_wait3A_73 = tpu.memref_slice %arg4[%mul3A_2, %dma_wait3A_72] : memref<204800x128xf32, #tpu.memory_space<hbm>> -> memref<128x128xf32, #tpu.memory_space<hbm>>
    tpu.wait_dma2 semaphore(%arg20 : memref<!tpu.dma_semaphore, #tpu.memory_space<semaphore_mem>>) src(%arg10 : memref<128x128xf32, #tpu.memory_space<vmem>>) dst(%dma_wait3A_73 : memref<128x128xf32, #tpu.memory_space<hbm>>)
    return
  }
}

</mosaic_0001>

<sc_bundles>
// kernel: kernel.3.cloned.1.call-start
scs
__scs_entry_jumppad:
0x0: {  	(pc) =	sbr.rel $0x88, $3  }
0x1: {  	(tag) =	ssettag $0x0;
	lr =	simm.s32 $0x1  }
0x2: {  	[smem:$0x3F9F] =	sst lr;
	_ =	strace $0xD0000000  }
0x3: {  	_ = 	snop  }
0x4: {  	_ = 	snop  }
0x5: {  	_ = 	snop  }
0x6: {  	_ = 	snop  }
0x7: {  	_ = 	snop  }
__scs_overlays_trampoline_lowered:
0x8: {  	[smem:$0x3FAE] =	sst s0  }
0x9: {  	[smem:$0x3FAF] =	sst s1  }
0xa: {  	[smem:$0x3FB0] =	sst s2  }
0xb: {  	[smem:$0x3FB1] =	sst s3  }
0xc: {  	[smem:$0x3FB2] =	sst s4  }
0xd: {  	[smem:$0x3FB3] =	sst s5  }
0xe: {  	[smem:$0x3FB4] =	sst s6  }
0xf: {  	[smem:$0x3FB5] =	sst s7  }
0x10: {  	[smem:$0x3FB6] =	sst s8  }
0x11: {  	[smem:$0x3FB7] =	sst s9;
	s0 =	simm.s32 @!p0 $0x0  }
0x12: {  	s1 =	sld [smem:$0x3F9D];
	s0 =	simm.s32 @p0 $0x1  }
0x13: {  	[smem:$0x3FB8] =	sst s0;
	s0 =	simm.s32 @!p1 $0x0  }
0x14: {  	s2 =	sld [smem:$0x3F9C];
	s0 =	simm.s32 @p1 $0x1  }
0x15: {  	[smem:$0x3FB9] =	sst s0;
	s0 =	simm.s32 @!p2 $0x0  }
0x16: {  	s3 =	sld [smem:$0x3FDB];
	s0 =	simm.s32 @p2 $0x1  }
0x17: {  	s4 =	simm.s32 $0x1BF5;
	[smem:$0x3FBB] =	sst s0  }
0x18: {  	s0 =	sld [smem:$0x3F9E];
	_ =	swait.ge [sflag:s4], $0x0  }
0x19: {  	s7 =	sld [smem:$0x3F9F]  }
0x1a: {  	s8 =	sadd.s32 $0xFFFFE003, lr  }
0x1b: {  	s9 =	sadd.s32 $0xFFFFFEF7, lr;
	s5 =	simm.s32 $0xFFFFFFFF;
	p2 =	slt.u32 s8, $0xFFFFF086  }
0x1c: {  	p1 =	slt.u32 s9, $0xF7A;
	s5 =	simm.s32 @!p2 $0x0  }
0x1d: {  	s5 =	simm.s32 @p1 $0x1;
	p0 =	seq.s32 s7, s2  }
0x1e: {  	s7 =	smul.u32 @!p0 $0xF7A, s2;
	p2 =	seq.s32 @!p0 s5, $0x0  }
0x1f: {  	s9 =	smul.u32 $0xF7A, s1;
	s8 =	simm.s32 @!p0 $0x1BF5;
	p2 =	por !p2, p0  }
0x20: {  	[sflag:s8] =	ssyncset.s32 @!p0 $0xFFFFF086;
	s6 =	sadd.s32 @!p0 s3, s7;
	s7 =	simm.s32 @!p0 $0x108  }
0x21: {  	s3 =	sadd.s32 s3, s9;
	s6 =	sadd.s32 @!p0 $0x88, s6;
	s7 =	simm.s32 @p2 $0x1082  }
0x22: {  	[simem:s7], [sflag:s8] =	dma.local @!p0 [hbm:s6], $0xF7A  }
0x23: {  	s9 =	sor.u32 $0xD0000000, s2;
	s6 =	simm.s32 $0x108;
	_ =	swait.ge @!p0 [sflag:s8], $0x0  }
0x24: {  	s3 =	sadd.s32 $0x88, s3;
	s6 =	simm.s32 @!p1 $0x1082;
	[sflag:s4] =	ssyncset.s32 $0xFFFFF086  }
0x25: {  	[simem:s6], [sflag:s4] =	dma.local [hbm:s3], $0xF7A  }
0x26: {  	[smem:$0x3F9F] =	sst s1;
	(tag) =	ssettag s2;
	_ =	strace s9  }
0x27: {  	s1 =	sld [smem:$0x3FAF]  }
0x28: {  	s2 =	sld [smem:$0x3FB0]  }
0x29: {  	s4 =	sld [smem:$0x3FB2]  }
0x2a: {  	p0 =	seq.s32 s5, $0x0;
	s5 =	sld [smem:$0x3FB3]  }
0x2b: {  	s6 =	sld [smem:$0x3FB4]  }
0x2c: {  	s7 =	sld [smem:$0x3FB5]  }
0x2d: {  	s3 =	simm.s32 $0x108;
	s8 =	sld [smem:$0x3FB6]  }
0x2e: {  	s3 =	simm.s32 @!p0 $0x1082;
	s9 =	sld [smem:$0x3FB7]  }
0x2f: {  	lr =	sadd.s32 s0, s3;
	s0 =	sld [smem:$0x3FAE]  }
0x30: {  	s3 =	sld [smem:$0x3FB1]  }
0x31: {  	[smem:$0x3FBA] =	sst s10  }
0x32: {  	s10 =	sld [smem:$0x3FB8];
	_ =	sdelay $0x3  }
0x33: {  	p0 =	seq.s32 s10, $0x1;
	s10 =	sld [smem:$0x3FBA];
	_ =	sdelay $0x3  }
0x34: {  	[smem:$0x3FBA] =	sst s10  }
0x35: {  	s10 =	sld [smem:$0x3FB9];
	_ =	sdelay $0x3  }
0x36: {  	p1 =	seq.s32 s10, $0x1;
	s10 =	sld [smem:$0x3FBA];
	_ =	sdelay $0x3  }
0x37: {  	[smem:$0x3FBA] =	sst s10  }
0x38: {  	s10 =	sld [smem:$0x3FBB]  }
0x39: {  	_ = 	snop;
	(pc) =	sbr.ind lr, $3  }
0x3a: {  	_ = 	snop  }
0x3b: {  	_ = 	snop  }
0x3c: {  	p2 =	seq.s32 s10, $0x1;
	s10 =	sld [smem:$0x3FBA]  }
0x3d: {  	_ =	shalt  }
0x3e: {  	_ =	shalt  }
0x3f: {  	_ =	shalt  }
0x40: {  	_ =	shalt  }
0x41: {  	_ =	shalt  }
0x42: {  	_ =	shalt  }
0x43: {  	_ =	shalt  }
0x44: {  	_ =	shalt  }
0x45: {  	_ =	shalt  }
0x46: {  	_ =	shalt  }
0x47: {  	_ =	shalt  }
0x48: {  	_ =	shalt  }
0x49: {  	_ =	shalt  }
0x4a: {  	_ =	shalt  }
0x4b: {  	_ =	shalt  }
0x4c: {  	_ =	shalt  }
0x4d: {  	_ =	shalt  }
0x4e: {  	_ =	shalt  }
0x4f: {  	_ =	shalt  }
0x50: {  	_ =	shalt  }
0x51: {  	_ =	shalt  }
0x52: {  	_ =	shalt  }
0x53: {  	_ =	shalt  }
0x54: {  	_ =	shalt  }
0x55: {  	_ =	shalt  }
0x56: {  	_ =	shalt  }
0x57: {  	_ =	shalt  }
0x58: {  	_ =	shalt  }
0x59: {  	_ =	shalt  }
0x5a: {  	_ =	shalt  }
0x5b: {  	_ =	shalt  }
0x5c: {  	_ =	shalt  }
0x5d: {  	_ =	shalt  }
0x5e: {  	_ =	shalt  }
0x5f: {  	_ =	shalt  }
0x60: {  	_ =	shalt  }
0x61: {  	_ =	shalt  }
0x62: {  	_ =	shalt  }
0x63: {  	_ =	shalt  }
0x64: {  	_ =	shalt  }
0x65: {  	_ =	shalt  }
0x66: {  	_ =	shalt  }
0x67: {  	_ =	shalt  }
0x68: {  	_ =	shalt  }
0x69: {  	_ =	shalt  }
0x6a: {  	_ =	shalt  }
0x6b: {  	_ =	shalt  }
0x6c: {  	_ =	shalt  }
0x6d: {  	_ =	shalt  }
0x6e: {  	_ =	shalt  }
0x6f: {  	_ =	shalt  }
0x70: {  	_ =	shalt  }
0x71: {  	_ =	shalt  }
0x72: {  	_ =	shalt  }
0x73: {  	_ =	shalt  }
0x74: {  	_ =	shalt  }
0x75: {  	_ =	shalt  }
0x76: {  	_ =	shalt  }
0x77: {  	_ =	shalt  }
0x78: {  	_ =	shalt  }
0x79: {  	_ =	shalt  }
0x7a: {  	_ =	shalt  }
0x7b: {  	_ =	shalt  }
0x7c: {  	_ =	shalt  }
0x7d: {  	_ =	shalt  }
0x7e: {  	_ =	shalt  }
0x7f: {  	_ =	shalt  }
0x80: {  	_ =	shalt  }
0x81: {  	_ =	shalt  }
0x82: {  	_ =	shalt  }
0x83: {  	_ =	shalt  }
0x84: {  	_ =	shalt  }
0x85: {  	_ =	shalt  }
0x86: {  	_ =	shalt  }
0x87: {  	_ =	shalt  }
.Lfunc_end0:
.L_simem_size_0:
called_computation_lowered:
.L_overlay_start_0:
0x88: {  	s2 =	sld [smem:$0x3FD9]  }
0x89: {  	s3 =	sld [smem:$0x3FFE];
	_ =	sdelay $0x1  }
0x8a: {  	s1 =	srdreg.scid  }
0x8b: {  	s0 =	sand.u32 $0x1, s1  }
0x8c: {  	s18 =	sshll.u32 s0, $0xA;
	s2 =	sadd.s32 s3, s2  }
0x8d: {  	s2 =	sadd.s32 s2, s18  }
0x8e: {  	[smem:$0x3FC6] =	sst s2  }
0x8f: {  	_ = 	snop  }
0x90: {  	s2 =	sld [smem:$0x3FC9]  }
0x91: {  	s19 =	sld [smem:$0x3FC8]  }
0x92: {  	s4 =	sld [smem:$0x3FD0];
	(tm) =	ssettm $0x1  }
0x93: {  	s5 =	sld [smem:$0x3FFB];
	_ =	sdelay $0x3  }
0x94: {  	_ =	strace s5  }
0x95: {  	s5 =	sld [smem:$0x3FFC];
	_ =	sdelay $0x3  }
0x96: {  	_ =	strace s5  }
0x97: {  	s5 =	sld [smem:$0x3FFD];
	_ =	sdelay $0x3  }
0x98: {  	_ =	strace s5  }
0x99: {  	_ =	strace $0x8FFFFFFF  }
0x9a: {  	s20 =	sld [smem:$0x3FDB];
	_ =	sdelay $0x1  }
0x9b: {  	s6 =	simm.s32 $_scs_section_size  }
0x9c: {  	s7 =	simm.s32 $_size__tile_overlayer_lowered;
	s8 =	simm.s32 $_tile_overlayer_lowered  }
0x9d: {  	s23 =	simm.s32 $0x1BFF;
	s22 =	sshll.u32 s8, $0x1;
	s5 =	sadd.s32 s6, s20  }
0x9e: {  	s9 =	simm.s32 $0x0;
	s21 =	sshll.u32 s7, $0x1;
	s7 =	sadd.s32 s22, s5  }
0x9f: {  	[timem:s9], [sflag:s23] =	dma.local [hbm:s7], s21  }
0xa0: {  	_ =	swait.ge [sflag:s23], s21  }
0xa1: {  	s6 =	ssub.s32 $0x0, s21;
	[sflag:s23] =	ssyncset.done $0x0  }
0xa2: {  	[sflag:s23] =	ssyncadd.s32 s6;
	_ =	sdelay $0x1  }
0xa3: {  	s24 =	simm.s32 $0x1B8B  }
0xa4: {  	_ =	swait.ge [sflag:s24], $0x1  }
0xa5: {  	[sflag:s24] =	ssyncset.done $0x0  }
0xa6: {  	s25 =	simm.s32 $0x1B8E;
	[sflag:s24] =	ssyncadd.s32 $0xFFFFFFFF  }
0xa7: {  	s26 =	simm.s32 $execute0_lowered;
	[smem:$0x3FD2] =	sst s25  }
0xa8: {  	s6 =	sshll.u32 s26, $0x1;
	_ =	strace $0x80000046;
	[dreg:$0x1] =	wrdreg $0xFFFFFFFF  }
0xa9: {  	s28 =	simm.s32 $_size_execute0_lowered;
	s5 =	sadd.s32 s5, s6;
	[dreg:$0x0] =	wrdreg $0x0  }
0xaa: {  	s6 =	sshll.u32 s28, $0x1;
	[dreg:$0x2] =	wrdreg s5  }
0xab: {  	[dreg:$0x3] =	wrdreg s6  }
0xac: {  	[dreg:$0x4] =	wrdreg $0xC0  }
0xad: {  	_ =	task [dreg:s9], $0x5FFFF  }
0xae: {  	[dreg:$0x1] =	wrdreg $0xFFFFFFFF  }
0xaf: {  	[dreg:$0x0] =	wrdreg $0x60  }
0xb0: {  	[dreg:$0x2] =	wrdreg s2  }
0xb1: {  	[dreg:$0x3] =	wrdreg s19  }
0xb2: {  	[dreg:$0x4] =	wrdreg s4  }
0xb3: {  	[dreg:$0x5] =	wrdreg $0x9  }
0xb4: {  	_ =	task.clear_ibuf [dreg:s9], $0x6FFFF;
	_ =	strace $0x90000046  }
0xb5: {  	s29 =	simm.s32 $0x9;
	_ =	strace $0x80000048  }
0xb6: {  	_ =	swait.ge [sflag:s29], $0x1  }
0xb7: {  	[sflag:s29] =	ssyncadd.s32 $0xFFFFFFFF  }
0xb8: {  	_ =	strace $0x90000048  }
0xb9: {  	_ =	sfence  }
0xba: {  	s30 =	sld [smem:$0x0];
	_ =	sdelay $0x2  }
0xbb: {  	s31 =	sshll.u32 s1, $0xD;
	s1 =	sshrl.u32 s1, $0x2  }
0xbc: {  	s3 =	sand.u32 $0x4000, s31;
	s1 =	sadd.s32 s1, s30  }
0xbd: {  	s0 =	sor.u32 s3, s0;
	s1 =	sshll.u32 s1, $0x11  }
0xbe: {  	s0 =	sor.u32 s1, s0  }
0xbf: {  	s0 =	sadd.s32 $0x8F2B, s0  }
0xc0: {  	[sflag:s0] =	ssyncadd.remote.s32 $0x1  }
0xc1: {  	_ =	sfence.sel $0xFFFF  }
0xc2: {  	[dreg:$0x0] =	wrdreg $0xFFFFFFFF;
	(pc) =	sbr.abs _section_cstart, $3  }
0xc3: {  	[dreg:$0x1] =	wrdreg $0xFFFFFFFF  }
0xc4: {  	_ =	task.clear_ibuf [dreg:s9], $0x2FFFF;
	_ =	strace $0x9FFFFFFF  }
0xc5: {  	(tm) =	ssettm $0x7FFFFFFF  }
tec
execute0_lowered:
.L_overlay_start_1:
0x0: {  	(tag) =	ssettag $0x1  }
0x1: {  	s0 =	rddreg [dreg:$0x0]  }
0x2: {  	s2 =	rddreg [dreg:$0x1]  }
0x3: {  	s9 =	rddreg [dreg:$0x2]  }
0x4: {  	s1 =	srdreg.scid;
	s10 =	stileid.u32  }
0x5: {  	s4 =	simm.s32 $0x0;
	s17 =	simm.s32 $0x80;
	s18 =	simm.s32 $0x1C00  }
0x6: {  	s19 =	simm.s32 $0x5C00;
	s28 =	simm.s32 $0x2;
	s29 =	simm.s32 $0x5  }
0x7: {  	s30 =	simm.s32 $0x6;
	s31 =	simm.s32 $0x7;
	s13 =	simm.s32 $0x0  }
0x8: {  	s1 =	sand.u32 $0x1, s1;
	s3 =	sshll.u32 s10, $0x8;
	[smem:$0x7FF] =	sst s4  }
0x9: {  	s23 =	sshll.u32 s10, $0xF;
	s10 =	sshll.u32 s10, $0xC;
	s5 =	sshll.u32 s1, $0x7  }
0xa: {  	_ =	strace $0x80000047;
	s6 =	ssub.s32 $0x2, s1;
	s24 =	sshll.u32 s1, $0xE  }
0xb: {  	s1 =	sshll.u32 s1, $0xB;
	s3 =	sor.u32 s5, s3;
	s8 =	sshrl.u32 s6, $0x1  }
0xc: {  	s10 =	sor.u32 s1, s10;
	s1 =	simm.s32 $0x9;
	s7 =	sshll.u32 s3, $0x4  }
0xd: {  	s5 =	sadd.s32 s0, s3;
	s22 =	ssub.s32 s6, s8;
	s0 =	simm.s32 $0x8  }
0xe: {  	s21 =	sadd.s32 s7, s9;
	[dreg:$0x4] =	wrdreg s5;
	s5 =	sadd.s32 $0x1000, s5  }
.Ltmp0:
0xf: {  	s3 =	smax.u32 s22, $0x1;
	s7 =	sadd.s32 $0x300000, s21;
	(pc) =	sbr.rel .LBB2_1-.Ltmp0, $4  }
0x10: {  	[dreg:$0x6] =	wrdreg s3;
	s3 =	sor.u32 s24, s23;
	s9 =	sadd.s32 $0x2F0000, s21  }
0x11: {  	[dreg:$0x5] =	wrdreg s5;
	s26 =	sadd.s32 $0x5000, s5;
	s23 =	simm.s32 $0xDC00  }
0x12: {  	s25 =	sor.u32 $0x80000, s3;
	[dreg:$0x7] =	wrdreg s26;
	s26 =	simm.s32 $0x11C00  }
0x13: {  	s3 =	simm.s32 $0xA;
	s11 =	sshrl.u32 s25, $0x3;
	s25 =	simm.s32 $0x1  }
.LBB2_4:
0x14: {  	_ =	swait.ge [sflag:s30], $0x4000  }
0x15: {  	[sflag:s30] =	ssyncset.done $0x0  }
0x16: {  	[sflag:s30] =	ssyncadd.s32 $0xFFFFC000  }
0x17: {  	_ =	swait.ge [sflag:s31], $0x4000  }
0x18: {  	[sflag:s31] =	ssyncset.done $0x0  }
0x19: {  	[sflag:s31] =	ssyncadd.s32 $0xFFFFC000  }
0x1a: {  	_ =	swait.ge [sflag:s0], $0x4000  }
0x1b: {  	[sflag:s0] =	ssyncset.done $0x0  }
0x1c: {  	[sflag:s0] =	ssyncadd.s32 $0xFFFFC000  }
0x1d: {  	_ =	swait.ge [sflag:s1], $0x4000  }
0x1e: {  	[sflag:s1] =	ssyncset.done $0x0  }
0x1f: {  	[sflag:s1] =	ssyncadd.s32 $0xFFFFC000  }
0x20: {  	_ =	swait.ge [sflag:s3], $0x4000  }
0x21: {  	s13 =	sadd.s32 $0x1, s13;
	s5 =	rddreg [dreg:$0x6]  }
0x22: {  	p0 =	sne.s32 s13, s5  }
.Ltmp1:
0x23: {  	_ = 	snop;
	(pc) =	sbr.rel @!p0 .LBB2_5-.Ltmp1, $3  }
0x24: {  	_ =	sdelay $0x1  }
0x25: {  	[sflag:s3] =	ssyncset.done $0x0  }
0x26: {  	[sflag:s3] =	ssyncadd.s32 $0xFFFFC000  }
.LBB2_1:
0x27: {  	s5 =	rddreg [dreg:$0x4];
	s12 =	simm.s32 $0xC  }
0x28: {  	[tilespmem:s4], [sflag:$0xC] =	stream.linear.gather [hbm4b:s5+s4], $0x400, $0x38;
	[tilespmem:$0x15C00] =	vst v63  }
0x29: {  	_ =	swait.ge [sflag:s12], $0x400  }
0x2a: {  	s6 =	simm.s32 $0x8000;
	[sflag:s12] =	ssyncset.done $0x0  }
0x2b: {  	s8 =	simm.s32 $0x400;
	s14 =	rddreg [dreg:$0x5];
	[sflag:s12] =	ssyncadd.s32 $0xFFFFFC00  }
0x2c: {  	[tilespmem:s8], [sflag:$0xB] =	stream.strided.gather [hbm4b:s14+s8], $0x1400, s6, s8, $0x38;
	[tilespmem:$0x15C00] =	vst v63  }
0x2d: {  	s16 =	simm.s32 $0x1800;
	s15 =	rddreg [dreg:$0x7]  }
0x2e: {  	[tilespmem:s16], [sflag:$0xB] =	stream.linear.gather [hbm4b:s15+s4], $0x100, $0x38;
	[tilespmem:$0x15C00] =	vst v63  }
0x2f: {  	_ = 	snop  }
0x30: {  	[tilespmem:s18], [sflag:$0x1] =	stream.indirect.gather [hbm4b:s2+s17], $0x80, s4, s17, $0xb8;
	[tilespmem:$0x15C00] =	vst v63  }
0x31: {  	_ = 	snop  }
0x32: {  	[tilespmem:s19], [sflag:$0x2] =	stream.indirect.gather [hbm4b:s2+s17], $0x80, s17, s17, $0xb8;
	[tilespmem:$0x15C00] =	vst v63  }
0x33: {  	s20 =	simm.s32 $0x100;
	s21 =	simm.s32 $0x9C00  }
0x34: {  	[tilespmem:s21], [sflag:$0x3] =	stream.indirect.gather [hbm4b:s2+s17], $0x80, s20, s17, $0xb8;
	[tilespmem:$0x15C00] =	vst v63  }
0x35: {  	s22 =	simm.s32 $0x180;
	s24 =	simm.s32 $0xB  }
0x36: {  	[tilespmem:s23], [sflag:$0x4] =	stream.indirect.gather [hbm4b:s2+s17], $0x80, s22, s17, $0xb8;
	[tilespmem:$0x15C00] =	vst v63  }
0x37: {  	_ =	swait.ge [sflag:s24], $0x1500  }
0x38: {  	[sflag:s24] =	ssyncset.done $0x0  }
0x39: {  	[sflag:s24] =	ssyncadd.s32 $0xFFFFEB00  }
0x3a: {  	s16 =	simm.s32 $0x0;
	s14 =	rddreg [dreg:$0x2]  }
.LBB2_2:
0x3b: {  	_ =	swait.ge [sflag:s25], $0x4000  }
0x3c: {  	p0 =	seq.s32 s16, $0x0;
	[sflag:s25] =	ssyncset.done $0x0  }
0x3d: {  	s21 =	sadd.s32 s14, s10;
	s22 =	simm.s32 @!p0 $0xA;
	[sflag:s25] =	ssyncadd.s32 $0xFFFFC000  }
0x3e: {  	[hbm4b:s21+s4] =	stream.linear.scatter [tilespmem:s18], [sflag:$0x6], $0x4000, $0x38;
	[tilespmem:$0x15C00] =	vst v63  }
0x3f: {  	_ =	swait.ge @!p0 [sflag:s22], $0x4000  }
0x40: {  	s20 =	sshra.s32 s16, $0x2;
	[sflag:s22] =	ssyncset.done @!p0 $0x0  }
0x41: {  	s12 =	sadd.s32 $0x200, s20;
	[sflag:s22] =	ssyncadd.s32 @!p0 $0xFFFFC000  }
0x42: {  	[tilespmem:s26], [sflag:$0x5] =	stream.indirect.gather [hbm4b:s2+s17], $0x80, s12, s17, $0xb8;
	[tilespmem:$0x15C00] =	vst v63  }
0x43: {  	_ =	swait.ge [sflag:s28], $0x4000  }
0x44: {  	p0 =	seq.s32 s16, $0x5A00;
	[sflag:s28] =	ssyncset.done $0x0  }
0x45: {  	s15 =	sadd.s32 s14, s11;
	s22 =	simm.s32 @p0 $0x3;
	[sflag:s28] =	ssyncadd.s32 $0xFFFFC000  }
0x46: {  	[hbm4b:s15+s4] =	stream.linear.scatter [tilespmem:s19], [sflag:$0x7], $0x4000, $0x38;
	[tilespmem:$0x15C00] =	vst v63  }
0x47: {  	_ =	swait.ge @p0 [sflag:s22], $0x4000  }
0x48: {  	[sflag:s22] =	ssyncset.done @p0 $0x0  }
0x49: {  	s8 =	simm.s32 @p0 $0x9C00;
	[sflag:s22] =	ssyncadd.s32 @p0 $0xFFFFC000;
	s22 =	simm.s32 @p0 $0x0  }
0x4a: {  	[hbm4b:s9+s22] =	stream.linear.scatter @p0 [tilespmem:s8], [sflag:$0x8], $0x4000, $0x38;
	[tilespmem:$0x15C00] =	vst v63  }
0x4b: {  	s8 =	simm.s32 @p0 $0x4  }
0x4c: {  	_ =	swait.ge @p0 [sflag:s8], $0x4000  }
0x4d: {  	[sflag:s8] =	ssyncset.done @p0 $0x0  }
0x4e: {  	[sflag:s8] =	ssyncadd.s32 @p0 $0xFFFFC000;
	s8 =	simm.s32 @p0 $0xDC00  }
0x4f: {  	[hbm4b:s7+s22] =	stream.linear.scatter @p0 [tilespmem:s8], [sflag:$0x9], $0x4000, $0x38;
	[tilespmem:$0x15C00] =	vst v63  }
0x50: {  	s8 =	simm.s32 @!p0 $0x6  }
0x51: {  	_ =	swait.ge @!p0 [sflag:s8], $0x4000  }
0x52: {  	[sflag:s8] =	ssyncset.done @!p0 $0x0  }
0x53: {  	[sflag:s8] =	ssyncadd.s32 @!p0 $0xFFFFC000;
	s8 =	sshra.s32 @!p0 s16, $0x2  }
0x54: {  	s5 =	simm.s32 @!p0 $0x80;
	s6 =	simm.s32 @!p0 $0x1C00;
	s22 =	sadd.s32 @!p0 $0x280, s8  }
0x55: {  	[tilespmem:s6], [sflag:$0x1] =	stream.indirect.gather @!p0 [hbm4b:s2+s5], $0x80, s22, s5, $0xb8;
	[tilespmem:$0x15C00] =	vst v63  }
0x56: {  	s6 =	simm.s32 @!p0 $0x3  }
0x57: {  	_ =	swait.ge @!p0 [sflag:s6], $0x4000  }
0x58: {  	[sflag:s6] =	ssyncset.done @!p0 $0x0  }
0x59: {  	[sflag:s6] =	ssyncadd.s32 @!p0 $0xFFFFC000;
	s6 =	sadd.s32 @!p0 s14, s10  }
0x5a: {  	s12 =	simm.s32 @!p0 $0x9C00;
	s15 =	simm.s32 @!p0 $0x0;
	s22 =	sadd.s32 @!p0 $0x20000, s6  }
0x5b: {  	[hbm4b:s22+s15] =	stream.linear.scatter @!p0 [tilespmem:s12], [sflag:$0x8], $0x4000, $0x38;
	[tilespmem:$0x15C00] =	vst v63  }
0x5c: {  	s22 =	simm.s32 @!p0 $0x7  }
0x5d: {  	_ =	swait.ge @!p0 [sflag:s22], $0x4000  }
0x5e: {  	[sflag:s22] =	ssyncset.done @!p0 $0x0  }
0x5f: {  	s24 =	simm.s32 @!p0 $0x5C00;
	[sflag:s22] =	ssyncadd.s32 @!p0 $0xFFFFC000;
	s22 =	sadd.s32 @!p0 $0x300, s8  }
0x60: {  	[tilespmem:s24], [sflag:$0x2] =	stream.indirect.gather @!p0 [hbm4b:s2+s5], $0x80, s22, s5, $0xb8;
	[tilespmem:$0x15C00] =	vst v63  }
0x61: {  	s22 =	simm.s32 @!p0 $0x4  }
0x62: {  	_ =	swait.ge @!p0 [sflag:s22], $0x4000  }
0x63: {  	[sflag:s22] =	ssyncset.done @!p0 $0x0  }
0x64: {  	s6 =	sadd.s32 @!p0 $0x30000, s6;
	[sflag:s22] =	ssyncadd.s32 @!p0 $0xFFFFC000;
	s22 =	simm.s32 @!p0 $0xDC00  }
0x65: {  	[hbm4b:s6+s15] =	stream.linear.scatter @!p0 [tilespmem:s22], [sflag:$0x9], $0x4000, $0x38;
	[tilespmem:$0x15C00] =	vst v63  }
0x66: {  	s6 =	simm.s32 @!p0 $0x8  }
0x67: {  	_ =	swait.ge @!p0 [sflag:s6], $0x4000  }
0x68: {  	[sflag:s6] =	ssyncset.done @!p0 $0x0  }
0x69: {  	[sflag:s6] =	ssyncadd.s32 @!p0 $0xFFFFC000;
	s6 =	sadd.s32 @!p0 $0x380, s8  }
0x6a: {  	[tilespmem:s12], [sflag:$0x3] =	stream.indirect.gather @!p0 [hbm4b:s2+s5], $0x80, s6, s5, $0xb8;
	[tilespmem:$0x15C00] =	vst v63  }
.Ltmp2:
0x6b: {  	_ = 	snop;
	(pc) =	sbr.rel @p0 .LBB2_4-.Ltmp2, $4  }
0x6c: {  	_ =	swait.ge [sflag:s29], $0x4000  }
0x6d: {  	[sflag:s29] =	ssyncset.done $0x0  }
0x6e: {  	s24 =	sadd.s32 $0x40000, s21;
	[sflag:s29] =	ssyncadd.s32 $0xFFFFC000  }
0x6f: {  	[hbm4b:s24+s4] =	stream.linear.scatter [tilespmem:s26], [sflag:$0xA], $0x4000, $0x38;
	[tilespmem:$0x15C00] =	vst v63  }
.Ltmp3:
0x70: {  	(pc) =	sbr.rel .LBB2_2-.Ltmp3, $4  }
0x71: {  	_ =	swait.ge [sflag:s1], $0x4000  }
0x72: {  	s5 =	sadd.s32 $0x400, s20;
	[sflag:s1] =	ssyncset.done $0x0  }
0x73: {  	s16 =	sadd.s32 $0xA00, s16;
	s14 =	sadd.s32 $0x50000, s14;
	[sflag:s1] =	ssyncadd.s32 $0xFFFFC000  }
0x74: {  	[tilespmem:s23], [sflag:$0x4] =	stream.indirect.gather [hbm4b:s2+s17], $0x80, s5, s17, $0xb8;
	[tilespmem:$0x15C00] =	vst v63  }
.LBB2_5:
0x75: {  	_ =	sfence.sel $0x180000  }
0x76: {  	[bflag:$0x0] =	sbarrier.arrive $0xFFFF  }
0x77: {  	_ =	strace $0x90000047  }
0x78: {  	s0 =	stileid.u32;
	[bflag:$0x2] =	sbarrier.arrive $0xFFFF  }
0x79: {  	p0 =	sne.s32 s0, $0x0;
	s0 =	rddreg [dreg:$0x3]  }
0x7a: {  	s0 =	sadd.s32 @!p0 $0x100000, s0  }
0x7b: {  	[sflag:s0] =	ssyncadd.tile.s32 @!p0 $0x1;
	_ =	shalt  }
.Lfunc_end2:
_tile_overlayer_lowered:
.L_overlay_start_2:
0x7c: {  	(tag) =	ssettag $0x2  }
0x7d: {  	s0 =	rddreg [dreg:$0x0];
	s2 =	stileid.u32  }
0x7e: {  	s1 =	rddreg [dreg:$0x1];
	p0 =	sne.s32 s2, $0x0  }
0x7f: {  	s3 =	rddreg [dreg:$0x2];
	[bflag:$0x3] =	sbarrier.arrive $0xFFFF;
	s2 =	simm.s32 @!p0 $0x1C0C  }
0x80: {  	[timem:s3], [sflag:s2] =	dma.local @!p0 [hbm:s0], s1  }
0x81: {  	s0 =	simm.s32 @!p0 $0xC  }
0x82: {  	_ =	swait.ge @!p0 [sflag:s0], s1  }
0x83: {  	s1 =	ssub.s32 @!p0 $0x0, s1;
	[sflag:s0] =	ssyncset.done @!p0 $0x0  }
0x84: {  	[sflag:s0] =	ssyncadd.s32 @!p0 s1  }
0x85: {  	[bflag:$0x3] =	sbarrier.arrive $0xFFFF  }
0x86: {  	_ =	shalt  }

</sc_bundles>
